<compile_context>
chip_gen: v7x
topology: tpu7x:2x2x1
jax: 0.10.2.dev20260603
libtpu: 0.0.44.dev20260713+nightly
codegen_flags: <defaults>
</compile_context>

<pallas_src>
import functools

import jax
import jax.numpy as jnp
from jax import lax
from jax.experimental import pallas as pl
from jax.experimental.pallas import tpu as pltpu
from jax.experimental.pallas import tpu_sc as plsc

N_COLS = 22
B = 4096
V = 100000
D = 64
NC, NS = 2, 16
NW = NC * NS
TOTAL = N_COLS * B
PER_W = TOTAL // NW
CHUNK = PER_W // 4
VT = 2048
HALF = 51200
DG = 8
NG = D // DG
KG = N_COLS * DG
RG = 2 * KG
BT = 512
NBT = B // BT


def _convert_body(x1_ref, x2_ref, o_ref):
    t1 = x1_ref[0].T
    t2 = x2_ref[0].T
    o_ref[0] = jnp.concatenate([t1, t2], axis=1)


def _convert_table(emb):
    et = jnp.swapaxes(emb, 1, 2)
    out = pl.pallas_call(
        _convert_body,
        grid=(N_COLS, HALF // VT),
        in_specs=[
            pl.BlockSpec((1, D, VT), lambda i, v: (i, 0, v)),
            pl.BlockSpec(
                (1, D, VT),
                lambda i, v: (i, 0, jnp.minimum(v + HALF // VT, (V - 1) // VT)),
            ),
        ],
        out_specs=pl.BlockSpec((1, VT, 2 * D), lambda i, v: (i, v, 0)),
        out_shape=jax.ShapeDtypeStruct((N_COLS, HALF, 2 * D), jnp.float32),
    )(et, et)
    return out.reshape(N_COLS * HALF, 2 * D)


def _sc_gather(table, pair_idx):
    mesh = plsc.VectorSubcoreMesh(core_axis_name="c", subcore_axis_name="s")

    @functools.partial(
        pl.kernel,
        out_type=jax.ShapeDtypeStruct((TOTAL, 2 * D), jnp.float32),
        mesh=mesh,
        scratch_types=[
            pltpu.VMEM((PER_W,), jnp.int32),
            pltpu.VMEM((CHUNK, 2 * D), jnp.float32),
            pltpu.SemaphoreType.DMA,
        ],
    )
    def gather_kernel(table_hbm, idx_hbm, out_hbm, idx_v, rows_v, sem):
        wid = lax.axis_index("s") * NC + lax.axis_index("c")
        base = wid * PER_W
        pltpu.sync_copy(idx_hbm.at[pl.ds(base, PER_W)], idx_v)
        for c in range(PER_W // CHUNK):
            pltpu.async_copy(
                table_hbm.at[idx_v.at[pl.ds(c * CHUNK, CHUNK)]], rows_v, sem
            ).wait()
            pltpu.sync_copy(rows_v, out_hbm.at[pl.ds(base + c * CHUNK, CHUNK)])

    return gather_kernel(table, pair_idx)


def _mlp_transpose_body(e_ref, par_ref, w1_ref, b1_ref, w2_ref, b2_ref, out_ref):
    e2 = e_ref[0]
    par = par_ref[0]
    e = jnp.where(par > 0.5, e2[:, D:2 * D], e2[:, 0:D])
    acc = jnp.zeros_like(e) + b2_ref[0]
    for h in range(8):
        acc = acc + w2_ref[0, h] * jnp.tanh(e * w1_ref[h, 0] + b1_ref[h])
    t = acc.T
    out_ref[...] = t.reshape(NG, 1, DG, B)


def _pairwise_body(w_ref, gt_ref, lab_ref, pw_ref, inf_ref, loss_ref):
    bt = pl.program_id(0)
    g = pl.program_id(1)
    w = w_ref[g]
    gf = gt_ref[g]
    h = lax.dot_general(
        w, gf, (((1,), (0,)), ((), ())), preferred_element_type=jnp.float32,
        precision=lax.Precision.HIGHEST,
    )
    p0 = jnp.sum(h[0:KG, :] * gf, axis=0, keepdims=True)
    p1 = jnp.sum(h[KG:RG, :] * gf, axis=0, keepdims=True)
    contrib = jnp.concatenate([p0, p1], axis=0)

    @pl.when(g == 0)
    def _():
        inf_ref[...] = contrib

    @pl.when(g > 0)
    def _():
        inf_ref[...] = inf_ref[...] + contrib

    @pl.when(g == NG - 1)
    def _():
        inf = inf_ref[...]
        r = inf - lab_ref[...]
        partial = jnp.reshape(jnp.sum(pw_ref[...] * r * r) * (1.0 / B), (1, 1))
        prev = jnp.where(bt == 0, jnp.zeros((1, 1), jnp.float32), loss_ref[...])
        loss_ref[...] = prev + partial


def _build_wstack(W4):
    m4 = W4[:, 1, :, :].reshape(N_COLS, N_COLS, 2, D)
    w5 = m4.transpose(3, 2, 1, 0).reshape(NG, DG, 2, N_COLS, N_COLS)
    eye = jnp.eye(DG, dtype=w5.dtype)
    w6 = jnp.einsum("gdcji,de->gcjdie", w5, eye)
    return w6.reshape(NG, RG, KG)


def _tc_pipeline(e_flat, parity, label, pos_weights, W4,
                 mlp_W1, mlp_b1, mlp_W2, mlp_b2):
    e3 = e_flat.reshape(N_COLS, B, 2 * D)
    smem = pl.BlockSpec(memory_space=pltpu.SMEM)
    gt4 = pl.pallas_call(
        _mlp_transpose_body,
        grid=(N_COLS,),
        in_specs=[
            pl.BlockSpec((1, B, 2 * D), lambda i: (i, 0, 0)),
            pl.BlockSpec((1, B, 1), lambda i: (i, 0, 0)),
            smem,
            smem,
            smem,
            smem,
        ],
        out_specs=pl.BlockSpec((NG, 1, DG, B), lambda i: (0, i, 0, 0)),
        out_shape=jax.ShapeDtypeStruct((NG, N_COLS, DG, B), jnp.float32),
    )(e3, parity, mlp_W1, mlp_b1, mlp_W2, mlp_b2)
    gt = gt4.reshape(NG, KG, B)

    wstack = _build_wstack(W4)
    inf_t, loss = pl.pallas_call(
        _pairwise_body,
        grid=(NBT, NG),
        in_specs=[
            pl.BlockSpec((NG, RG, KG), lambda bt, g: (0, 0, 0)),
            pl.BlockSpec((NG, KG, BT), lambda bt, g: (0, 0, bt)),
            pl.BlockSpec((2, BT), lambda bt, g: (0, bt)),
            pl.BlockSpec((2, BT), lambda bt, g: (0, bt)),
        ],
        out_specs=[
            pl.BlockSpec((2, BT), lambda bt, g: (0, bt)),
            pl.BlockSpec((1, 1), lambda bt, g: (0, 0)),
        ],
        out_shape=[
            jax.ShapeDtypeStruct((2, B), jnp.float32),
            jax.ShapeDtypeStruct((1, 1), jnp.float32),
        ],
    )(wstack, gt, label.T, pos_weights.T)
    return inf_t.T, loss.reshape(())


def kernel(feature_indices, label, pos_weights, emb, W4, Wcat,
           mlp_W1, mlp_b1, mlp_W2, mlp_b2):
    high = (feature_indices >= HALF).astype(jnp.int32)
    local_v = feature_indices - HALF * high
    offsets = (jnp.arange(N_COLS, dtype=jnp.int32) * HALF)[:, None]
    pair_idx = (local_v + offsets).reshape(TOTAL)
    parity = high.astype(jnp.float32).reshape(N_COLS, B, 1)
    table = _convert_table(emb)
    e_flat = _sc_gather(table, pair_idx)
    return _tc_pipeline(e_flat, parity, label, pos_weights, W4,
                        mlp_W1, mlp_b1, mlp_W2, mlp_b2)

# --- scband reference (transcript-rebuilt; emitter-appended) ---
"""Pipeline reference for scband-fm-38560216383906 (READ-ONLY COPY).

The authoritative reference and input builder live on the scoring server;
editing this copy changes nothing except your own understanding.
"""

import jax, jax.numpy as jnp
import numpy as np

COLUMNS = ['cap-shape', 'cap-surface', 'cap-color', 'bruises', 'odor', 'gill-attachment', 'gill-spacing', 'gill-size', 'gill-color', 'stalk-shape', 'stalk-root', 'stalk-surface-above-ring', 'stalk-surface-below-ring', 'stalk-color-above-ring', 'stalk-color-below-ring', 'veil-type', 'veil-color', 'ring-number', 'ring-type', 'spore-print-color', 'population', 'habitat']
N_COLS = len(COLUMNS)
B = 4096
V = 100000
D = 64
REG = 0.01
# self.weights = [0,1,0,0,0] over PRIMITIVES_BINARY = [plus, multiply, max, min, concat]
WEIGHTS = np.array([0.0, 1.0, 0.0, 0.0, 0.0], dtype=np.float32)


def _mlp(x, W1, b1, W2, b2):
    # mlp_p: Linear(1,8) -> Tanh -> Linear(8,1), applied per scalar element
    t = jnp.tanh(x[..., None] * W1[:, 0] + b1)
    return jnp.tensordot(t, W2[0], axes=([-1], [0])) + b2[0]


def setup_inputs(seed: int = 0):
    key = jax.random.key(seed)
    ks = jax.random.split(key, 10)
    feature_indices = jax.random.randint(ks[0], (N_COLS, B), 0, V, dtype=jnp.int32)
    label = jax.random.uniform(ks[1], (B, 2), dtype=jnp.float32)
    pos_weights = jax.random.uniform(ks[2], (B, 2), dtype=jnp.float32)
    # one embedding table per column, stacked: [N_COLS, V, D]
    emb = jax.random.normal(ks[3], (N_COLS, V, D), dtype=jnp.float32)
    K = N_COLS * N_COLS
    # FC linears per (pair, primitive): 4 ops map D->2, concat maps 2D->2, no bias
    W4 = jax.random.normal(ks[4], (K, 4, 2, D), dtype=jnp.float32) * 0.1
    Wcat = jax.random.normal(ks[5], (K, 2, 2 * D), dtype=jnp.float32) * 0.1
    mlp_W1 = jax.random.normal(ks[6], (8, 1), dtype=jnp.float32) * 0.5
    mlp_b1 = jax.random.normal(ks[7], (8,), dtype=jnp.float32) * 0.1
    mlp_W2 = jax.random.normal(ks[8], (1, 8), dtype=jnp.float32) * 0.5
    mlp_b2 = jax.random.normal(ks[9], (1,), dtype=jnp.float32) * 0.1
    return {"feature_indices": feature_indices, "label": label, "pos_weights": pos_weights, "emb": emb, "W4": W4, "Wcat": Wcat, "mlp_W1": mlp_W1, "mlp_b1": mlp_b1, "mlp_W2": mlp_W2, "mlp_b2": mlp_b2}


def reference(feature_indices, label, pos_weights, emb, W4, Wcat, mlp_W1, mlp_b1, mlp_W2, mlp_b2):
    w = jnp.asarray(WEIGHTS)
    # embedding lookup per column (SparseCore gather)
    E = [jnp.take(emb[i], feature_indices[i], axis=0) for i in range(N_COLS)]
    # name*_embedding_trans = mlp_p(e.view(-1,1)).view(e.size()) -- per-column, reused across pairs
    Et = [_mlp(e, mlp_W1, mlp_b1, mlp_W2, mlp_b2) for e in E]
    norms = [jnp.linalg.norm(e) for e in E]
    inferences = jnp.zeros((B, 2), dtype=jnp.float32)
    regs = jnp.float32(0.0)
    k = 0
    for i in range(N_COLS):
        for j in range(N_COLS):
            regs = regs + REG * (norms[i] + norms[j])
            p, q = Et[i], Et[j]
            out = w[0] * ((p + q) @ W4[k, 0].T)
            out = out + w[1] * ((p * q) @ W4[k, 1].T)
            out = out + w[2] * (jnp.maximum(p, q) @ W4[k, 2].T)
            out = out + w[3] * (jnp.minimum(p, q) @ W4[k, 3].T)
            out = out + w[4] * (jnp.concatenate([p, q], axis=-1) @ Wcat[k].T)
            inferences = inferences + out
            k += 1
    loss = (inferences - label) ** 2
    weighted_loss = jnp.mean(jnp.sum(pos_weights * loss, axis=1))
    return (inferences, weighted_loss)

if __name__ == "__main__":
    import jax
    _d = setup_inputs()
    print(jax.jit(kernel)(*tuple(_d.values())))

</pallas_src>

<mosaic_0001>
#map = affine_map<(d0, d1) -> (0, 0)>
#map1 = affine_map<(d0, d1) -> (0)>
module attributes {stable_mosaic.version = 14 : i64} {
  func.func @gather_kernel(%arg0: i32, %arg1: i32, %arg2: memref<1126400x128xf32, #tpu.memory_space<hbm>>, %arg3: memref<90112xi32, #tpu.memory_space<hbm>>, %arg4: memref<90112x128xf32, #tpu.memory_space<hbm>>, %arg5: memref<2816xi32, #tpu.memory_space<vmem>>, %arg6: memref<704x128xf32, #tpu.memory_space<vmem>>, %arg7: memref<!tpu.dma_semaphore, #tpu.memory_space<semaphore_mem>>) attributes {dimension_semantics = [#tpu.dimension_semantics<core_parallel>, #tpu.dimension_semantics<subcore_parallel>], iteration_bounds = array<i64: 2, 16>, scalar_prefetch = 0 : i64, scratch_operands = 3 : i64, tpu.core_type = #tpu.core_type<sc_vector_subcore>, window_params = [{transform_indices = #map}, {transform_indices = #map1}, {transform_indices = #map}]} {
    %mul3A = arith.constant 2 : i32
    %mul3A_0 = arith.muli %arg1, %mul3A : i32
    %add3A = arith.addi %mul3A_0, %arg0 : i32
    %mul3A_1 = arith.constant 2816 : i32
    %mul3A_2 = arith.muli %add3A, %mul3A_1 : i32
    "tpu.region"() ({
      %run_scoped3A = tpu.sem_alloc : memref<!tpu.dma_semaphore, #tpu.memory_space<semaphore_mem>>
      %dma_start3A_49 = tpu.memref_slice %arg3[%mul3A_2] : memref<90112xi32, #tpu.memory_space<hbm>> -> memref<2816xi32, #tpu.memory_space<hbm>>
      %dma_start3A_50 = tpu.memref_slice %arg3[%mul3A_2] : memref<90112xi32, #tpu.memory_space<hbm>> -> memref<2816xi32, #tpu.memory_space<hbm>>
      tpu.enqueue_dma source(%dma_start3A_50 : memref<2816xi32, #tpu.memory_space<hbm>>) target(%arg5 : memref<2816xi32, #tpu.memory_space<vmem>>) target_semaphore(%run_scoped3A : memref<!tpu.dma_semaphore, #tpu.memory_space<semaphore_mem>>)
      %dma_wait3A_51 = tpu.memref_slice %arg3[%mul3A_2] : memref<90112xi32, #tpu.memory_space<hbm>> -> memref<2816xi32, #tpu.memory_space<hbm>>
      %dma_wait3A_52 = tpu.memref_slice %arg3[%mul3A_2] : memref<90112xi32, #tpu.memory_space<hbm>> -> memref<2816xi32, #tpu.memory_space<hbm>>
      tpu.wait_dma2 semaphore(%run_scoped3A : memref<!tpu.dma_semaphore, #tpu.memory_space<semaphore_mem>>) src(%dma_wait3A_52 : memref<2816xi32, #tpu.memory_space<hbm>>) dst(%arg5 : memref<2816xi32, #tpu.memory_space<vmem>>)
      tpu.yield
    }) : () -> ()
    %dma_start3A = arith.constant 0 : i32
    %dma_start3A_3 = tpu.memref_slice %arg5[%dma_start3A] : memref<2816xi32, #tpu.memory_space<vmem>> -> memref<704xi32, #tpu.memory_space<vmem>>
    %dma_start3A_4 = arith.constant 0 : i32
    %dma_start3A_5 = arith.constant 0 : i32
    %dma_start3A_6 = tpu.memref_slice %arg2[%dma_start3A_4, %dma_start3A_5] : memref<1126400x128xf32, #tpu.memory_space<hbm>> -> memref<1126400x128xf32, #tpu.memory_space<hbm>>
    tpu.enqueue_indirect_dma source(%dma_start3A_6 : memref<1126400x128xf32, #tpu.memory_space<hbm>>) target(%arg6 : memref<704x128xf32, #tpu.memory_space<vmem>>) offsets(%dma_start3A_3 : memref<704xi32, #tpu.memory_space<vmem>>) semaphore(%arg7 : memref<!tpu.dma_semaphore, #tpu.memory_space<semaphore_mem>>)
    %dma_wait3A = arith.constant 0 : i32
    %dma_wait3A_7 = tpu.memref_slice %arg5[%dma_wait3A] : memref<2816xi32, #tpu.memory_space<vmem>> -> memref<704xi32, #tpu.memory_space<vmem>>
    %dma_wait3A_8 = arith.constant 0 : i32
    %dma_wait3A_9 = arith.constant 0 : i32
    %dma_wait3A_10 = tpu.memref_slice %arg2[%dma_wait3A_8, %dma_wait3A_9] : memref<1126400x128xf32, #tpu.memory_space<hbm>> -> memref<1126400x128xf32, #tpu.memory_space<hbm>>
    tpu.wait_indirect_dma semaphore(%arg7 : memref<!tpu.dma_semaphore, #tpu.memory_space<semaphore_mem>>) src(%dma_wait3A_10 : memref<1126400x128xf32, #tpu.memory_space<hbm>>) dst(%arg6 : memref<704x128xf32, #tpu.memory_space<vmem>>)
    %add3A_11 = arith.constant 0 : i32
    %add3A_12 = arith.addi %mul3A_2, %add3A_11 : i32
    "tpu.region"() ({
      %run_scoped3A = tpu.sem_alloc : memref<!tpu.dma_semaphore, #tpu.memory_space<semaphore_mem>>
      %dma_start3A_49 = arith.constant 0 : i32
      %dma_start3A_50 = tpu.memref_slice %arg4[%add3A_12, %dma_start3A_49] : memref<90112x128xf32, #tpu.memory_space<hbm>> -> memref<704x128xf32, #tpu.memory_space<hbm>>
      %dma_start3A_51 = arith.constant 0 : i32
      %dma_start3A_52 = tpu.memref_slice %arg4[%add3A_12, %dma_start3A_51] : memref<90112x128xf32, #tpu.memory_space<hbm>> -> memref<704x128xf32, #tpu.memory_space<hbm>>
      tpu.enqueue_dma source(%arg6 : memref<704x128xf32, #tpu.memory_space<vmem>>) target(%dma_start3A_52 : memref<704x128xf32, #tpu.memory_space<hbm>>) target_semaphore(%run_scoped3A : memref<!tpu.dma_semaphore, #tpu.memory_space<semaphore_mem>>)
      %dma_wait3A_53 = arith.constant 0 : i32
      %dma_wait3A_54 = tpu.memref_slice %arg4[%add3A_12, %dma_wait3A_53] : memref<90112x128xf32, #tpu.memory_space<hbm>> -> memref<704x128xf32, #tpu.memory_space<hbm>>
      %dma_wait3A_55 = arith.constant 0 : i32
      %dma_wait3A_56 = tpu.memref_slice %arg4[%add3A_12, %dma_wait3A_55] : memref<90112x128xf32, #tpu.memory_space<hbm>> -> memref<704x128xf32, #tpu.memory_space<hbm>>
      tpu.wait_dma2 semaphore(%run_scoped3A : memref<!tpu.dma_semaphore, #tpu.memory_space<semaphore_mem>>) src(%arg6 : memref<704x128xf32, #tpu.memory_space<vmem>>) dst(%dma_wait3A_56 : memref<704x128xf32, #tpu.memory_space<hbm>>)
      tpu.yield
    }) : () -> ()
    %dma_start3A_13 = arith.constant 704 : i32
    %dma_start3A_14 = tpu.memref_slice %arg5[%dma_start3A_13] : memref<2816xi32, #tpu.memory_space<vmem>> -> memref<704xi32, #tpu.memory_space<vmem>>
    %dma_start3A_15 = arith.constant 0 : i32
    %dma_start3A_16 = arith.constant 0 : i32
    %dma_start3A_17 = tpu.memref_slice %arg2[%dma_start3A_15, %dma_start3A_16] : memref<1126400x128xf32, #tpu.memory_space<hbm>> -> memref<1126400x128xf32, #tpu.memory_space<hbm>>
    tpu.enqueue_indirect_dma source(%dma_start3A_17 : memref<1126400x128xf32, #tpu.memory_space<hbm>>) target(%arg6 : memref<704x128xf32, #tpu.memory_space<vmem>>) offsets(%dma_start3A_14 : memref<704xi32, #tpu.memory_space<vmem>>) semaphore(%arg7 : memref<!tpu.dma_semaphore, #tpu.memory_space<semaphore_mem>>)
    %dma_wait3A_18 = arith.constant 704 : i32
    %dma_wait3A_19 = tpu.memref_slice %arg5[%dma_wait3A_18] : memref<2816xi32, #tpu.memory_space<vmem>> -> memref<704xi32, #tpu.memory_space<vmem>>
    %dma_wait3A_20 = arith.constant 0 : i32
    %dma_wait3A_21 = arith.constant 0 : i32
    %dma_wait3A_22 = tpu.memref_slice %arg2[%dma_wait3A_20, %dma_wait3A_21] : memref<1126400x128xf32, #tpu.memory_space<hbm>> -> memref<1126400x128xf32, #tpu.memory_space<hbm>>
    tpu.wait_indirect_dma semaphore(%arg7 : memref<!tpu.dma_semaphore, #tpu.memory_space<semaphore_mem>>) src(%dma_wait3A_22 : memref<1126400x128xf32, #tpu.memory_space<hbm>>) dst(%arg6 : memref<704x128xf32, #tpu.memory_space<vmem>>)
    %add3A_23 = arith.constant 704 : i32
    %add3A_24 = arith.addi %mul3A_2, %add3A_23 : i32
    "tpu.region"() ({
      %run_scoped3A = tpu.sem_alloc : memref<!tpu.dma_semaphore, #tpu.memory_space<semaphore_mem>>
      %dma_start3A_49 = arith.constant 0 : i32
      %dma_start3A_50 = tpu.memref_slice %arg4[%add3A_24, %dma_start3A_49] : memref<90112x128xf32, #tpu.memory_space<hbm>> -> memref<704x128xf32, #tpu.memory_space<hbm>>
      %dma_start3A_51 = arith.constant 0 : i32
      %dma_start3A_52 = tpu.memref_slice %arg4[%add3A_24, %dma_start3A_51] : memref<90112x128xf32, #tpu.memory_space<hbm>> -> memref<704x128xf32, #tpu.memory_space<hbm>>
      tpu.enqueue_dma source(%arg6 : memref<704x128xf32, #tpu.memory_space<vmem>>) target(%dma_start3A_52 : memref<704x128xf32, #tpu.memory_space<hbm>>) target_semaphore(%run_scoped3A : memref<!tpu.dma_semaphore, #tpu.memory_space<semaphore_mem>>)
      %dma_wait3A_53 = arith.constant 0 : i32
      %dma_wait3A_54 = tpu.memref_slice %arg4[%add3A_24, %dma_wait3A_53] : memref<90112x128xf32, #tpu.memory_space<hbm>> -> memref<704x128xf32, #tpu.memory_space<hbm>>
      %dma_wait3A_55 = arith.constant 0 : i32
      %dma_wait3A_56 = tpu.memref_slice %arg4[%add3A_24, %dma_wait3A_55] : memref<90112x128xf32, #tpu.memory_space<hbm>> -> memref<704x128xf32, #tpu.memory_space<hbm>>
      tpu.wait_dma2 semaphore(%run_scoped3A : memref<!tpu.dma_semaphore, #tpu.memory_space<semaphore_mem>>) src(%arg6 : memref<704x128xf32, #tpu.memory_space<vmem>>) dst(%dma_wait3A_56 : memref<704x128xf32, #tpu.memory_space<hbm>>)
      tpu.yield
    }) : () -> ()
    %dma_start3A_25 = arith.constant 1408 : i32
    %dma_start3A_26 = tpu.memref_slice %arg5[%dma_start3A_25] : memref<2816xi32, #tpu.memory_space<vmem>> -> memref<704xi32, #tpu.memory_space<vmem>>
    %dma_start3A_27 = arith.constant 0 : i32
    %dma_start3A_28 = arith.constant 0 : i32
    %dma_start3A_29 = tpu.memref_slice %arg2[%dma_start3A_27, %dma_start3A_28] : memref<1126400x128xf32, #tpu.memory_space<hbm>> -> memref<1126400x128xf32, #tpu.memory_space<hbm>>
    tpu.enqueue_indirect_dma source(%dma_start3A_29 : memref<1126400x128xf32, #tpu.memory_space<hbm>>) target(%arg6 : memref<704x128xf32, #tpu.memory_space<vmem>>) offsets(%dma_start3A_26 : memref<704xi32, #tpu.memory_space<vmem>>) semaphore(%arg7 : memref<!tpu.dma_semaphore, #tpu.memory_space<semaphore_mem>>)
    %dma_wait3A_30 = arith.constant 1408 : i32
    %dma_wait3A_31 = tpu.memref_slice %arg5[%dma_wait3A_30] : memref<2816xi32, #tpu.memory_space<vmem>> -> memref<704xi32, #tpu.memory_space<vmem>>
    %dma_wait3A_32 = arith.constant 0 : i32
    %dma_wait3A_33 = arith.constant 0 : i32
    %dma_wait3A_34 = tpu.memref_slice %arg2[%dma_wait3A_32, %dma_wait3A_33] : memref<1126400x128xf32, #tpu.memory_space<hbm>> -> memref<1126400x128xf32, #tpu.memory_space<hbm>>
    tpu.wait_indirect_dma semaphore(%arg7 : memref<!tpu.dma_semaphore, #tpu.memory_space<semaphore_mem>>) src(%dma_wait3A_34 : memref<1126400x128xf32, #tpu.memory_space<hbm>>) dst(%arg6 : memref<704x128xf32, #tpu.memory_space<vmem>>)
    %add3A_35 = arith.constant 1408 : i32
    %add3A_36 = arith.addi %mul3A_2, %add3A_35 : i32
    "tpu.region"() ({
      %run_scoped3A = tpu.sem_alloc : memref<!tpu.dma_semaphore, #tpu.memory_space<semaphore_mem>>
      %dma_start3A_49 = arith.constant 0 : i32
      %dma_start3A_50 = tpu.memref_slice %arg4[%add3A_36, %dma_start3A_49] : memref<90112x128xf32, #tpu.memory_space<hbm>> -> memref<704x128xf32, #tpu.memory_space<hbm>>
      %dma_start3A_51 = arith.constant 0 : i32
      %dma_start3A_52 = tpu.memref_slice %arg4[%add3A_36, %dma_start3A_51] : memref<90112x128xf32, #tpu.memory_space<hbm>> -> memref<704x128xf32, #tpu.memory_space<hbm>>
      tpu.enqueue_dma source(%arg6 : memref<704x128xf32, #tpu.memory_space<vmem>>) target(%dma_start3A_52 : memref<704x128xf32, #tpu.memory_space<hbm>>) target_semaphore(%run_scoped3A : memref<!tpu.dma_semaphore, #tpu.memory_space<semaphore_mem>>)
      %dma_wait3A_53 = arith.constant 0 : i32
      %dma_wait3A_54 = tpu.memref_slice %arg4[%add3A_36, %dma_wait3A_53] : memref<90112x128xf32, #tpu.memory_space<hbm>> -> memref<704x128xf32, #tpu.memory_space<hbm>>
      %dma_wait3A_55 = arith.constant 0 : i32
      %dma_wait3A_56 = tpu.memref_slice %arg4[%add3A_36, %dma_wait3A_55] : memref<90112x128xf32, #tpu.memory_space<hbm>> -> memref<704x128xf32, #tpu.memory_space<hbm>>
      tpu.wait_dma2 semaphore(%run_scoped3A : memref<!tpu.dma_semaphore, #tpu.memory_space<semaphore_mem>>) src(%arg6 : memref<704x128xf32, #tpu.memory_space<vmem>>) dst(%dma_wait3A_56 : memref<704x128xf32, #tpu.memory_space<hbm>>)
      tpu.yield
    }) : () -> ()
    %dma_start3A_37 = arith.constant 2112 : i32
    %dma_start3A_38 = tpu.memref_slice %arg5[%dma_start3A_37] : memref<2816xi32, #tpu.memory_space<vmem>> -> memref<704xi32, #tpu.memory_space<vmem>>
    %dma_start3A_39 = arith.constant 0 : i32
    %dma_start3A_40 = arith.constant 0 : i32
    %dma_start3A_41 = tpu.memref_slice %arg2[%dma_start3A_39, %dma_start3A_40] : memref<1126400x128xf32, #tpu.memory_space<hbm>> -> memref<1126400x128xf32, #tpu.memory_space<hbm>>
    tpu.enqueue_indirect_dma source(%dma_start3A_41 : memref<1126400x128xf32, #tpu.memory_space<hbm>>) target(%arg6 : memref<704x128xf32, #tpu.memory_space<vmem>>) offsets(%dma_start3A_38 : memref<704xi32, #tpu.memory_space<vmem>>) semaphore(%arg7 : memref<!tpu.dma_semaphore, #tpu.memory_space<semaphore_mem>>)
    %dma_wait3A_42 = arith.constant 2112 : i32
    %dma_wait3A_43 = tpu.memref_slice %arg5[%dma_wait3A_42] : memref<2816xi32, #tpu.memory_space<vmem>> -> memref<704xi32, #tpu.memory_space<vmem>>
    %dma_wait3A_44 = arith.constant 0 : i32
    %dma_wait3A_45 = arith.constant 0 : i32
    %dma_wait3A_46 = tpu.memref_slice %arg2[%dma_wait3A_44, %dma_wait3A_45] : memref<1126400x128xf32, #tpu.memory_space<hbm>> -> memref<1126400x128xf32, #tpu.memory_space<hbm>>
    tpu.wait_indirect_dma semaphore(%arg7 : memref<!tpu.dma_semaphore, #tpu.memory_space<semaphore_mem>>) src(%dma_wait3A_46 : memref<1126400x128xf32, #tpu.memory_space<hbm>>) dst(%arg6 : memref<704x128xf32, #tpu.memory_space<vmem>>)
    %add3A_47 = arith.constant 2112 : i32
    %add3A_48 = arith.addi %mul3A_2, %add3A_47 : i32
    "tpu.region"() ({
      %run_scoped3A = tpu.sem_alloc : memref<!tpu.dma_semaphore, #tpu.memory_space<semaphore_mem>>
      %dma_start3A_49 = arith.constant 0 : i32
      %dma_start3A_50 = tpu.memref_slice %arg4[%add3A_48, %dma_start3A_49] : memref<90112x128xf32, #tpu.memory_space<hbm>> -> memref<704x128xf32, #tpu.memory_space<hbm>>
      %dma_start3A_51 = arith.constant 0 : i32
      %dma_start3A_52 = tpu.memref_slice %arg4[%add3A_48, %dma_start3A_51] : memref<90112x128xf32, #tpu.memory_space<hbm>> -> memref<704x128xf32, #tpu.memory_space<hbm>>
      tpu.enqueue_dma source(%arg6 : memref<704x128xf32, #tpu.memory_space<vmem>>) target(%dma_start3A_52 : memref<704x128xf32, #tpu.memory_space<hbm>>) target_semaphore(%run_scoped3A : memref<!tpu.dma_semaphore, #tpu.memory_space<semaphore_mem>>)
      %dma_wait3A_53 = arith.constant 0 : i32
      %dma_wait3A_54 = tpu.memref_slice %arg4[%add3A_48, %dma_wait3A_53] : memref<90112x128xf32, #tpu.memory_space<hbm>> -> memref<704x128xf32, #tpu.memory_space<hbm>>
      %dma_wait3A_55 = arith.constant 0 : i32
      %dma_wait3A_56 = tpu.memref_slice %arg4[%add3A_48, %dma_wait3A_55] : memref<90112x128xf32, #tpu.memory_space<hbm>> -> memref<704x128xf32, #tpu.memory_space<hbm>>
      tpu.wait_dma2 semaphore(%run_scoped3A : memref<!tpu.dma_semaphore, #tpu.memory_space<semaphore_mem>>) src(%arg6 : memref<704x128xf32, #tpu.memory_space<vmem>>) dst(%dma_wait3A_56 : memref<704x128xf32, #tpu.memory_space<hbm>>)
      tpu.yield
    }) : () -> ()
    return
  }
}

module attributes {stable_mosaic.version = 14 : i64} {
  func.func @_convert_body(%arg0: i32, %arg1: i32, %arg2: memref<1x64x2048xf32, #tpu.memory_space<vmem>>, %arg3: memref<1x64x2048xf32, #tpu.memory_space<vmem>>, %arg4: memref<1x2048x128xf32, #tpu.memory_space<vmem>>) attributes {dimension_semantics = [#tpu.dimension_semantics<arbitrary>, #tpu.dimension_semantics<arbitrary>], iteration_bounds = array<i64: 22, 25>, scalar_prefetch = 0 : i64, scratch_operands = 0 : i64, tpu.core_type = #tpu.core_type<tc>, window_params = [{transform_indices = @transform_0, window_bounds = array<i64: 1, 64, 2048>}, {transform_indices = @transform_1, window_bounds = array<i64: 1, 64, 2048>}, {transform_indices = @transform_2, window_bounds = array<i64: 1, 2048, 128>}]} {
    %get3A = arith.constant 0 : index
    %get3A_0 = arith.constant 0 : index
    %get3A_1 = arith.constant 0 : index
    %get3A_2 = vector.load %arg2[%get3A, %get3A_0, %get3A_1] : memref<1x64x2048xf32, #tpu.memory_space<vmem>>, vector<1x64x2048xf32>
    %get3A_3 = vector.shape_cast %get3A_2 : vector<1x64x2048xf32> to vector<64x2048xf32>
    %transpose3A = tpu.transpose %get3A_3, [1, 0] : vector<64x2048xf32> -> vector<2048x64xf32>
    %get3A_4 = arith.constant 0 : index
    %get3A_5 = arith.constant 0 : index
    %get3A_6 = arith.constant 0 : index
    %get3A_7 = vector.load %arg3[%get3A_4, %get3A_5, %get3A_6] : memref<1x64x2048xf32, #tpu.memory_space<vmem>>, vector<1x64x2048xf32>
    %get3A_8 = vector.shape_cast %get3A_7 : vector<1x64x2048xf32> to vector<64x2048xf32>
    %transpose3A_9 = tpu.transpose %get3A_8, [1, 0] : vector<64x2048xf32> -> vector<2048x64xf32>
    %concatenate3A = tpu.concatenate %transpose3A, %transpose3A_9 in 1 : vector<2048x64xf32>, vector<2048x64xf32> -> vector<2048x128xf32>
    %swap3A = arith.constant 0 : index
    %swap3A_10 = arith.constant 0 : index
    %swap3A_11 = arith.constant 0 : index
    %swap3A_12 = vector.load %arg4[%swap3A, %swap3A_10, %swap3A_11] : memref<1x2048x128xf32, #tpu.memory_space<vmem>>, vector<1x2048x128xf32>
    %swap3A_13 = vector.shape_cast %swap3A_12 : vector<1x2048x128xf32> to vector<2048x128xf32>
    %swap3A_14 = vector.shape_cast %concatenate3A : vector<2048x128xf32> to vector<1x2048x128xf32>
    tpu.vector_store %arg4[%swap3A, %swap3A_10, %swap3A_11], %swap3A_14 {strides = array<i32>} : memref<1x2048x128xf32, #tpu.memory_space<vmem>>, vector<1x2048x128xf32>,
    return
  }
  func.func @transform_0(%arg0: i32, %arg1: i32) -> (i32, i32, i32) {
    %c0_i32 = arith.constant 0 : i32
    %c0_i32_0 = arith.constant 0 : i32
    return %arg0, %c0_i32, %arg1 : i32, i32, i32
  }
  func.func @transform_1(%arg0: i32, %arg1: i32) -> (i32, i32, i32) {
    %add3A = arith.constant 25 : i32
    %add3A_0 = arith.addi %arg1, %add3A : i32
    %min3A = arith.constant 48 : i32
    %min3A_1 = arith.minsi %add3A_0, %min3A : i32
    %c0_i32 = arith.constant 0 : i32
    %c0_i32_2 = arith.constant 0 : i32
    return %arg0, %c0_i32, %min3A_1 : i32, i32, i32
  }
  func.func @transform_2(%arg0: i32, %arg1: i32) -> (i32, i32, i32) {
    %c0_i32 = arith.constant 0 : i32
    %c0_i32_0 = arith.constant 0 : i32
    return %arg0, %arg1, %c0_i32 : i32, i32, i32
  }
}

module attributes {stable_mosaic.version = 14 : i64} {
  func.func @_mlp_transpose_body(%arg0: i32, %arg1: memref<1x4096x128xf32, #tpu.memory_space<vmem>>, %arg2: memref<1x4096x1xf32, #tpu.memory_space<vmem>>, %arg3: memref<8x1xf32, #tpu.memory_space<smem>>, %arg4: memref<8xf32, #tpu.memory_space<smem>>, %arg5: memref<1x8xf32, #tpu.memory_space<smem>>, %arg6: memref<1xf32, #tpu.memory_space<smem>>, %arg7: memref<8x1x8x4096xf32, #tpu.memory_space<vmem>>) attributes {dimension_semantics = [#tpu.dimension_semantics<arbitrary>], iteration_bounds = array<i64: 22>, scalar_prefetch = 0 : i64, scratch_operands = 0 : i64, tpu.core_type = #tpu.core_type<tc>, window_params = [{transform_indices = @transform_0, window_bounds = array<i64: 1, 4096, 128>}, {transform_indices = @transform_1, window_bounds = array<i64: 1, 4096, 1>}, {transform_indices = @transform_2, window_bounds = array<i64: 8, 1>}, {transform_indices = @transform_3, window_bounds = array<i64: 8>}, {transform_indices = @transform_4, window_bounds = array<i64: 1, 8>}, {transform_indices = @transform_5, window_bounds = array<i64: 1>}, {transform_indices = @transform_6, window_bounds = array<i64: 8, 1, 8, 4096>}]} {
    %get3A = arith.constant 0 : index
    %get3A_0 = arith.constant 0 : index
    %get3A_1 = arith.constant 0 : index
    %get3A_2 = vector.load %arg1[%get3A, %get3A_0, %get3A_1] : memref<1x4096x128xf32, #tpu.memory_space<vmem>>, vector<1x4096x128xf32>
    %get3A_3 = vector.shape_cast %get3A_2 : vector<1x4096x128xf32> to vector<4096x128xf32>
    %get3A_4 = arith.constant 0 : index
    %get3A_5 = arith.constant 0 : index
    %get3A_6 = arith.constant 0 : index
    %get3A_7 = vector.load %arg2[%get3A_4, %get3A_5, %get3A_6] : memref<1x4096x1xf32, #tpu.memory_space<vmem>>, vector<1x4096x1xf32>
    %get3A_8 = vector.shape_cast %get3A_7 : vector<1x4096x1xf32> to vector<4096x1xf32>
    %gt3A = arith.constant 5.000000e-01 : f32
    %gt3A_9 = vector.broadcast %gt3A : f32 to vector<4096x1xf32>
    %gt3A_10 = arith.cmpf ogt, %get3A_8, %gt3A_9 : vector<4096x1xf32>
    %slice3A = vector.extract_strided_slice %get3A_3 {offsets = [0, 64], sizes = [4096, 64], strides = [1, 1]} : vector<4096x128xf32> to vector<4096x64xf32>
    %slice3A_11 = vector.extract_strided_slice %get3A_3 {offsets = [0, 0], sizes = [4096, 64], strides = [1, 1]} : vector<4096x128xf32> to vector<4096x64xf32>
    %broadcast_in_dim3A = vector.shape_cast %gt3A_10 : vector<4096x1xi1> to vector<4096x1xi1>
    %broadcast_in_dim3A_12 = vector.broadcast %broadcast_in_dim3A : vector<4096x1xi1> to vector<4096x64xi1>
    %select_n3A = arith.select %broadcast_in_dim3A_12, %slice3A, %slice3A_11 : vector<4096x64xi1>, vector<4096x64xf32>
    %broadcast_in_dim3A_13 = arith.constant 0.000000e+00 : f32
    %broadcast_in_dim3A_14 = vector.broadcast %broadcast_in_dim3A_13 : f32 to vector<4096x64xf32>
    %get3A_15 = arith.constant 0 : index
    %get3A_16 = memref.load %arg6[%get3A_15] : memref<1xf32, #tpu.memory_space<smem>>
    %add3A = vector.broadcast %get3A_16 : f32 to vector<4096x64xf32>
    %add3A_17 = arith.addf %broadcast_in_dim3A_14, %add3A : vector<4096x64xf32>
    %get3A_18 = arith.constant 0 : index
    %get3A_19 = arith.constant 0 : index
    %get3A_20 = memref.load %arg5[%get3A_18, %get3A_19] : memref<1x8xf32, #tpu.memory_space<smem>>
    %get3A_21 = arith.constant 0 : index
    %get3A_22 = arith.constant 0 : index
    %get3A_23 = memref.load %arg3[%get3A_21, %get3A_22] : memref<8x1xf32, #tpu.memory_space<smem>>
    %mul3A = vector.broadcast %get3A_23 : f32 to vector<4096x64xf32>
    %mul3A_24 = arith.mulf %select_n3A, %mul3A : vector<4096x64xf32>
    %get3A_25 = arith.constant 0 : index
    %get3A_26 = memref.load %arg4[%get3A_25] : memref<8xf32, #tpu.memory_space<smem>>
    %add3A_27 = vector.broadcast %get3A_26 : f32 to vector<4096x64xf32>
    %add3A_28 = arith.addf %mul3A_24, %add3A_27 : vector<4096x64xf32>
    %tanh3A = math.tanh %add3A_28 : vector<4096x64xf32>
    %mul3A_29 = vector.broadcast %get3A_20 : f32 to vector<4096x64xf32>
    %mul3A_30 = arith.mulf %mul3A_29, %tanh3A : vector<4096x64xf32>
    %add3A_31 = arith.addf %add3A_17, %mul3A_30 : vector<4096x64xf32>
    %get3A_32 = arith.constant 0 : index
    %get3A_33 = arith.constant 1 : index
    %get3A_34 = memref.load %arg5[%get3A_32, %get3A_33] : memref<1x8xf32, #tpu.memory_space<smem>>
    %get3A_35 = arith.constant 1 : index
    %get3A_36 = arith.constant 0 : index
    %get3A_37 = memref.load %arg3[%get3A_35, %get3A_36] : memref<8x1xf32, #tpu.memory_space<smem>>
    %mul3A_38 = vector.broadcast %get3A_37 : f32 to vector<4096x64xf32>
    %mul3A_39 = arith.mulf %select_n3A, %mul3A_38 : vector<4096x64xf32>
    %get3A_40 = arith.constant 1 : index
    %get3A_41 = memref.load %arg4[%get3A_40] : memref<8xf32, #tpu.memory_space<smem>>
    %add3A_42 = vector.broadcast %get3A_41 : f32 to vector<4096x64xf32>
    %add3A_43 = arith.addf %mul3A_39, %add3A_42 : vector<4096x64xf32>
    %tanh3A_44 = math.tanh %add3A_43 : vector<4096x64xf32>
    %mul3A_45 = vector.broadcast %get3A_34 : f32 to vector<4096x64xf32>
    %mul3A_46 = arith.mulf %mul3A_45, %tanh3A_44 : vector<4096x64xf32>
    %add3A_47 = arith.addf %add3A_31, %mul3A_46 : vector<4096x64xf32>
    %get3A_48 = arith.constant 0 : index
    %get3A_49 = arith.constant 2 : index
    %get3A_50 = memref.load %arg5[%get3A_48, %get3A_49] : memref<1x8xf32, #tpu.memory_space<smem>>
    %get3A_51 = arith.constant 2 : index
    %get3A_52 = arith.constant 0 : index
    %get3A_53 = memref.load %arg3[%get3A_51, %get3A_52] : memref<8x1xf32, #tpu.memory_space<smem>>
    %mul3A_54 = vector.broadcast %get3A_53 : f32 to vector<4096x64xf32>
    %mul3A_55 = arith.mulf %select_n3A, %mul3A_54 : vector<4096x64xf32>
    %get3A_56 = arith.constant 2 : index
    %get3A_57 = memref.load %arg4[%get3A_56] : memref<8xf32, #tpu.memory_space<smem>>
    %add3A_58 = vector.broadcast %get3A_57 : f32 to vector<4096x64xf32>
    %add3A_59 = arith.addf %mul3A_55, %add3A_58 : vector<4096x64xf32>
    %tanh3A_60 = math.tanh %add3A_59 : vector<4096x64xf32>
    %mul3A_61 = vector.broadcast %get3A_50 : f32 to vector<4096x64xf32>
    %mul3A_62 = arith.mulf %mul3A_61, %tanh3A_60 : vector<4096x64xf32>
    %add3A_63 = arith.addf %add3A_47, %mul3A_62 : vector<4096x64xf32>
    %get3A_64 = arith.constant 0 : index
    %get3A_65 = arith.constant 3 : index
    %get3A_66 = memref.load %arg5[%get3A_64, %get3A_65] : memref<1x8xf32, #tpu.memory_space<smem>>
    %get3A_67 = arith.constant 3 : index
    %get3A_68 = arith.constant 0 : index
    %get3A_69 = memref.load %arg3[%get3A_67, %get3A_68] : memref<8x1xf32, #tpu.memory_space<smem>>
    %mul3A_70 = vector.broadcast %get3A_69 : f32 to vector<4096x64xf32>
    %mul3A_71 = arith.mulf %select_n3A, %mul3A_70 : vector<4096x64xf32>
    %get3A_72 = arith.constant 3 : index
    %get3A_73 = memref.load %arg4[%get3A_72] : memref<8xf32, #tpu.memory_space<smem>>
    %add3A_74 = vector.broadcast %get3A_73 : f32 to vector<4096x64xf32>
    %add3A_75 = arith.addf %mul3A_71, %add3A_74 : vector<4096x64xf32>
    %tanh3A_76 = math.tanh %add3A_75 : vector<4096x64xf32>
    %mul3A_77 = vector.broadcast %get3A_66 : f32 to vector<4096x64xf32>
    %mul3A_78 = arith.mulf %mul3A_77, %tanh3A_76 : vector<4096x64xf32>
    %add3A_79 = arith.addf %add3A_63, %mul3A_78 : vector<4096x64xf32>
    %get3A_80 = arith.constant 0 : index
    %get3A_81 = arith.constant 4 : index
    %get3A_82 = memref.load %arg5[%get3A_80, %get3A_81] : memref<1x8xf32, #tpu.memory_space<smem>>
    %get3A_83 = arith.constant 4 : index
    %get3A_84 = arith.constant 0 : index
    %get3A_85 = memref.load %arg3[%get3A_83, %get3A_84] : memref<8x1xf32, #tpu.memory_space<smem>>
    %mul3A_86 = vector.broadcast %get3A_85 : f32 to vector<4096x64xf32>
    %mul3A_87 = arith.mulf %select_n3A, %mul3A_86 : vector<4096x64xf32>
    %get3A_88 = arith.constant 4 : index
    %get3A_89 = memref.load %arg4[%get3A_88] : memref<8xf32, #tpu.memory_space<smem>>
    %add3A_90 = vector.broadcast %get3A_89 : f32 to vector<4096x64xf32>
    %add3A_91 = arith.addf %mul3A_87, %add3A_90 : vector<4096x64xf32>
    %tanh3A_92 = math.tanh %add3A_91 : vector<4096x64xf32>
    %mul3A_93 = vector.broadcast %get3A_82 : f32 to vector<4096x64xf32>
    %mul3A_94 = arith.mulf %mul3A_93, %tanh3A_92 : vector<4096x64xf32>
    %add3A_95 = arith.addf %add3A_79, %mul3A_94 : vector<4096x64xf32>
    %get3A_96 = arith.constant 0 : index
    %get3A_97 = arith.constant 5 : index
    %get3A_98 = memref.load %arg5[%get3A_96, %get3A_97] : memref<1x8xf32, #tpu.memory_space<smem>>
    %get3A_99 = arith.constant 5 : index
    %get3A_100 = arith.constant 0 : index
    %get3A_101 = memref.load %arg3[%get3A_99, %get3A_100] : memref<8x1xf32, #tpu.memory_space<smem>>
    %mul3A_102 = vector.broadcast %get3A_101 : f32 to vector<4096x64xf32>
    %mul3A_103 = arith.mulf %select_n3A, %mul3A_102 : vector<4096x64xf32>
    %get3A_104 = arith.constant 5 : index
    %get3A_105 = memref.load %arg4[%get3A_104] : memref<8xf32, #tpu.memory_space<smem>>
    %add3A_106 = vector.broadcast %get3A_105 : f32 to vector<4096x64xf32>
    %add3A_107 = arith.addf %mul3A_103, %add3A_106 : vector<4096x64xf32>
    %tanh3A_108 = math.tanh %add3A_107 : vector<4096x64xf32>
    %mul3A_109 = vector.broadcast %get3A_98 : f32 to vector<4096x64xf32>
    %mul3A_110 = arith.mulf %mul3A_109, %tanh3A_108 : vector<4096x64xf32>
    %add3A_111 = arith.addf %add3A_95, %mul3A_110 : vector<4096x64xf32>
    %get3A_112 = arith.constant 0 : index
    %get3A_113 = arith.constant 6 : index
    %get3A_114 = memref.load %arg5[%get3A_112, %get3A_113] : memref<1x8xf32, #tpu.memory_space<smem>>
    %get3A_115 = arith.constant 6 : index
    %get3A_116 = arith.constant 0 : index
    %get3A_117 = memref.load %arg3[%get3A_115, %get3A_116] : memref<8x1xf32, #tpu.memory_space<smem>>
    %mul3A_118 = vector.broadcast %get3A_117 : f32 to vector<4096x64xf32>
    %mul3A_119 = arith.mulf %select_n3A, %mul3A_118 : vector<4096x64xf32>
    %get3A_120 = arith.constant 6 : index
    %get3A_121 = memref.load %arg4[%get3A_120] : memref<8xf32, #tpu.memory_space<smem>>
    %add3A_122 = vector.broadcast %get3A_121 : f32 to vector<4096x64xf32>
    %add3A_123 = arith.addf %mul3A_119, %add3A_122 : vector<4096x64xf32>
    %tanh3A_124 = math.tanh %add3A_123 : vector<4096x64xf32>
    %mul3A_125 = vector.broadcast %get3A_114 : f32 to vector<4096x64xf32>
    %mul3A_126 = arith.mulf %mul3A_125, %tanh3A_124 : vector<4096x64xf32>
    %add3A_127 = arith.addf %add3A_111, %mul3A_126 : vector<4096x64xf32>
    %get3A_128 = arith.constant 0 : index
    %get3A_129 = arith.constant 7 : index
    %get3A_130 = memref.load %arg5[%get3A_128, %get3A_129] : memref<1x8xf32, #tpu.memory_space<smem>>
    %get3A_131 = arith.constant 7 : index
    %get3A_132 = arith.constant 0 : index
    %get3A_133 = memref.load %arg3[%get3A_131, %get3A_132] : memref<8x1xf32, #tpu.memory_space<smem>>
    %mul3A_134 = vector.broadcast %get3A_133 : f32 to vector<4096x64xf32>
    %mul3A_135 = arith.mulf %select_n3A, %mul3A_134 : vector<4096x64xf32>
    %get3A_136 = arith.constant 7 : index
    %get3A_137 = memref.load %arg4[%get3A_136] : memref<8xf32, #tpu.memory_space<smem>>
    %add3A_138 = vector.broadcast %get3A_137 : f32 to vector<4096x64xf32>
    %add3A_139 = arith.addf %mul3A_135, %add3A_138 : vector<4096x64xf32>
    %tanh3A_140 = math.tanh %add3A_139 : vector<4096x64xf32>
    %mul3A_141 = vector.broadcast %get3A_130 : f32 to vector<4096x64xf32>
    %mul3A_142 = arith.mulf %mul3A_141, %tanh3A_140 : vector<4096x64xf32>
    %add3A_143 = arith.addf %add3A_127, %mul3A_142 : vector<4096x64xf32>
    %transpose3A = tpu.transpose %add3A_143, [1, 0] : vector<4096x64xf32> -> vector<64x4096xf32>
    %reshape3A = vector.shape_cast %transpose3A : vector<64x4096xf32> to vector<8x1x8x4096xf32>
    %swap3A = arith.constant 0 : index
    %swap3A_144 = arith.constant 0 : index
    %swap3A_145 = arith.constant 0 : index
    %swap3A_146 = arith.constant 0 : index
    %swap3A_147 = vector.load %arg7[%swap3A, %swap3A_144, %swap3A_145, %swap3A_146] : memref<8x1x8x4096xf32, #tpu.memory_space<vmem>>, vector<8x1x8x4096xf32>
    tpu.vector_store %arg7[%swap3A, %swap3A_144, %swap3A_145, %swap3A_146], %reshape3A {strides = array<i32>} : memref<8x1x8x4096xf32, #tpu.memory_space<vmem>>, vector<8x1x8x4096xf32>,
    return
  }
  func.func @transform_0(%arg0: i32) -> (i32, i32, i32) {
    %c0_i32 = arith.constant 0 : i32
    %c0_i32_0 = arith.constant 0 : i32
    %c0_i32_1 = arith.constant 0 : i32
    return %arg0, %c0_i32, %c0_i32_0 : i32, i32, i32
  }
  func.func @transform_1(%arg0: i32) -> (i32, i32, i32) {
    %c0_i32 = arith.constant 0 : i32
    %c0_i32_0 = arith.constant 0 : i32
    %c0_i32_1 = arith.constant 0 : i32
    return %arg0, %c0_i32, %c0_i32_0 : i32, i32, i32
  }
  func.func @transform_2(%arg0: i32) -> (i32, i32) {
    %c0_i32 = arith.constant 0 : i32
    %c0_i32_0 = arith.constant 0 : i32
    %c0_i32_1 = arith.constant 0 : i32
    return %c0_i32, %c0_i32_0 : i32, i32
  }
  func.func @transform_3(%arg0: i32) -> i32 {
    %c0_i32 = arith.constant 0 : i32
    %c0_i32_0 = arith.constant 0 : i32
    return %c0_i32 : i32
  }
  func.func @transform_4(%arg0: i32) -> (i32, i32) {
    %c0_i32 = arith.constant 0 : i32
    %c0_i32_0 = arith.constant 0 : i32
    %c0_i32_1 = arith.constant 0 : i32
    return %c0_i32, %c0_i32_0 : i32, i32
  }
  func.func @transform_5(%arg0: i32) -> i32 {
    %c0_i32 = arith.constant 0 : i32
    %c0_i32_0 = arith.constant 0 : i32
    return %c0_i32 : i32
  }
  func.func @transform_6(%arg0: i32) -> (i32, i32, i32, i32) {
    %c0_i32 = arith.constant 0 : i32
    %c0_i32_0 = arith.constant 0 : i32
    %c0_i32_1 = arith.constant 0 : i32
    %c0_i32_2 = arith.constant 0 : i32
    return %c0_i32, %arg0, %c0_i32_0, %c0_i32_1 : i32, i32, i32, i32
  }
}

module attributes {stable_mosaic.version = 14 : i64} {
  func.func @_pairwise_body(%arg0: i32, %arg1: i32, %arg2: memref<8x352x176xf32, #tpu.memory_space<vmem>>, %arg3: memref<8x176x512xf32, #tpu.memory_space<vmem>>, %arg4: memref<2x512xf32, #tpu.memory_space<vmem>>, %arg5: memref<2x512xf32, #tpu.memory_space<vmem>>, %arg6: memref<2x512xf32, #tpu.memory_space<vmem>>, %arg7: memref<1x1xf32, #tpu.memory_space<vmem>>) attributes {dimension_semantics = [#tpu.dimension_semantics<arbitrary>, #tpu.dimension_semantics<arbitrary>], iteration_bounds = array<i64: 8, 8>, scalar_prefetch = 0 : i64, scratch_operands = 0 : i64, tpu.core_type = #tpu.core_type<tc>, window_params = [{pipeline_mode = #tpu.pipeline_mode<synchronous>, transform_indices = @transform_0, window_bounds = array<i64: 8, 352, 176>}, {transform_indices = @transform_1, window_bounds = array<i64: 8, 176, 512>}, {transform_indices = @transform_2, window_bounds = array<i64: 2, 512>}, {transform_indices = @transform_3, window_bounds = array<i64: 2, 512>}, {transform_indices = @transform_4, window_bounds = array<i64: 2, 512>}, {pipeline_mode = #tpu.pipeline_mode<synchronous>, transform_indices = @transform_5, window_bounds = array<i64: 1, 1>}]} {
    %get3A = arith.index_cast %arg1 : i32 to index
    %get3A_0 = arith.constant 0 : index
    %get3A_1 = arith.constant 0 : index
    %get3A_2 = vector.load %arg2[%get3A, %get3A_0, %get3A_1] : memref<8x352x176xf32, #tpu.memory_space<vmem>>, vector<1x352x176xf32>
    %get3A_3 = vector.shape_cast %get3A_2 : vector<1x352x176xf32> to vector<352x176xf32>
    %get3A_4 = arith.index_cast %arg1 : i32 to index
    %get3A_5 = arith.constant 0 : index
    %get3A_6 = arith.constant 0 : index
    %get3A_7 = vector.load %arg3[%get3A_4, %get3A_5, %get3A_6] : memref<8x176x512xf32, #tpu.memory_space<vmem>>, vector<1x176x512xf32>
    %get3A_8 = vector.shape_cast %get3A_7 : vector<1x176x512xf32> to vector<176x512xf32>
    %dot_general3A = arith.constant dense<0.000000e+00> : vector<352x512xf32>
    %dot_general3A_9 = tpu.matmul %get3A_3, %get3A_8, %dot_general3A {dimension_numbers = #tpu.dot_dimension_numbers<[1], [0], [0], [1], [0, 0, 1, 1], [], []>, precision = #tpu.contract_precision<fp32>, transpose_lhs_hint = false} : vector<352x176xf32>, vector<176x512xf32>, vector<352x512xf32> -> vector<352x512xf32>
    %slice3A = vector.extract_strided_slice %dot_general3A_9 {offsets = [0, 0], sizes = [176, 512], strides = [1, 1]} : vector<352x512xf32> to vector<176x512xf32>
    %mul3A = arith.mulf %slice3A, %get3A_8 : vector<176x512xf32>
    %reduce_sum3A = arith.constant dense<0.000000e+00> : vector<512xf32>
    %reduce_sum3A_10 = vector.multi_reduction <add>, %mul3A, %reduce_sum3A [0] : vector<176x512xf32> to vector<512xf32>
    %broadcast_in_dim3A = vector.shape_cast %reduce_sum3A_10 : vector<512xf32> to vector<1x512xf32>
    %slice3A_11 = vector.extract_strided_slice %dot_general3A_9 {offsets = [176, 0], sizes = [176, 512], strides = [1, 1]} : vector<352x512xf32> to vector<176x512xf32>
    %mul3A_12 = arith.mulf %slice3A_11, %get3A_8 : vector<176x512xf32>
    %reduce_sum3A_13 = arith.constant dense<0.000000e+00> : vector<512xf32>
    %reduce_sum3A_14 = vector.multi_reduction <add>, %mul3A_12, %reduce_sum3A_13 [0] : vector<176x512xf32> to vector<512xf32>
    %broadcast_in_dim3A_15 = vector.shape_cast %reduce_sum3A_14 : vector<512xf32> to vector<1x512xf32>
    %concatenate3A = tpu.concatenate %broadcast_in_dim3A, %broadcast_in_dim3A_15 in 0 : vector<1x512xf32>, vector<1x512xf32> -> vector<2x512xf32>
    %eq3A = arith.constant 0 : i32
    %eq3A_16 = arith.cmpi eq, %arg1, %eq3A : i32
    %convert_element_type3A = arith.extui %eq3A_16 : i1 to i32
    %cond3A = arith.constant 0 : i32
    %cond3A_17 = arith.cmpi ne, %convert_element_type3A, %cond3A : i32
    scf.if %cond3A_17 {
      %swap3A = arith.constant 0 : index
      %swap3A_27 = arith.constant 0 : index
      %swap3A_28 = vector.load %arg6[%swap3A, %swap3A_27] : memref<2x512xf32, #tpu.memory_space<vmem>>, vector<2x512xf32>
      tpu.vector_store %arg6[%swap3A, %swap3A_27], %concatenate3A {strides = array<i32>} : memref<2x512xf32, #tpu.memory_space<vmem>>, vector<2x512xf32>,
    } else {
    }
    %gt3A = arith.constant 0 : i32
    %gt3A_18 = arith.cmpi sgt, %arg1, %gt3A : i32
    %convert_element_type3A_19 = arith.extui %gt3A_18 : i1 to i32
    %cond3A_20 = arith.constant 0 : i32
    %cond3A_21 = arith.cmpi ne, %convert_element_type3A_19, %cond3A_20 : i32
    scf.if %cond3A_21 {
      %get3A_27 = arith.constant 0 : index
      %get3A_28 = arith.constant 0 : index
      %get3A_29 = vector.load %arg6[%get3A_27, %get3A_28] : memref<2x512xf32, #tpu.memory_space<vmem>>, vector<2x512xf32>
      %add3A = arith.addf %get3A_29, %concatenate3A : vector<2x512xf32>
      %swap3A = arith.constant 0 : index
      %swap3A_30 = arith.constant 0 : index
      %swap3A_31 = vector.load %arg6[%swap3A, %swap3A_30] : memref<2x512xf32, #tpu.memory_space<vmem>>, vector<2x512xf32>
      tpu.vector_store %arg6[%swap3A, %swap3A_30], %add3A {strides = array<i32>} : memref<2x512xf32, #tpu.memory_space<vmem>>, vector<2x512xf32>,
    } else {
    }
    %eq3A_22 = arith.constant 7 : i32
    %eq3A_23 = arith.cmpi eq, %arg1, %eq3A_22 : i32
    %convert_element_type3A_24 = arith.extui %eq3A_23 : i1 to i32
    %cond3A_25 = arith.constant 0 : i32
    %cond3A_26 = arith.cmpi ne, %convert_element_type3A_24, %cond3A_25 : i32
    scf.if %cond3A_26 {
      %get3A_27 = arith.constant 0 : index
      %get3A_28 = arith.constant 0 : index
      %get3A_29 = vector.load %arg6[%get3A_27, %get3A_28] : memref<2x512xf32, #tpu.memory_space<vmem>>, vector<2x512xf32>
      %get3A_30 = arith.constant 0 : index
      %get3A_31 = arith.constant 0 : index
      %get3A_32 = vector.load %arg4[%get3A_30, %get3A_31] : memref<2x512xf32, #tpu.memory_space<vmem>>, vector<2x512xf32>
      %sub3A = arith.subf %get3A_29, %get3A_32 : vector<2x512xf32>
      %get3A_33 = arith.constant 0 : index
      %get3A_34 = arith.constant 0 : index
      %get3A_35 = vector.load %arg5[%get3A_33, %get3A_34] : memref<2x512xf32, #tpu.memory_space<vmem>>, vector<2x512xf32>
      %mul3A_36 = arith.mulf %get3A_35, %sub3A : vector<2x512xf32>
      %mul3A_37 = arith.mulf %mul3A_36, %sub3A : vector<2x512xf32>
      %reduce_sum3A_38 = vector.shape_cast %mul3A_37 : vector<2x512xf32> to vector<1x2x512xf32>
      %reduce_sum3A_39 = arith.constant dense<0.000000e+00> : vector<1xf32>
      %reduce_sum3A_40 = vector.multi_reduction <add>, %reduce_sum3A_38, %reduce_sum3A_39 [1, 2] : vector<1x2x512xf32> to vector<1xf32>
      %reduce_sum3A_41 = vector.shape_cast %reduce_sum3A_40 : vector<1xf32> to vector<1x1x1xf32>
      %reduce_sum3A_42 = vector.extract %reduce_sum3A_41[0, 0, 0] : f32 from vector<1x1x1xf32>
      %mul3A_43 = arith.constant 2.44140625E-4 : f32
      %mul3A_44 = arith.mulf %reduce_sum3A_42, %mul3A_43 : f32
      %reshape3A = vector.broadcast %mul3A_44 : f32 to vector<1x1xf32>
      %eq3A_45 = arith.constant 0 : i32
      %eq3A_46 = arith.cmpi eq, %arg0, %eq3A_45 : i32
      %broadcast_in_dim3A_47 = arith.constant 0.000000e+00 : f32
      %broadcast_in_dim3A_48 = vector.broadcast %broadcast_in_dim3A_47 : f32 to vector<1x1xf32>
      %get3A_49 = arith.constant 0 : index
      %get3A_50 = arith.constant 0 : index
      %get3A_51 = vector.load %arg7[%get3A_49, %get3A_50] : memref<1x1xf32, #tpu.memory_space<vmem>>, vector<1x1xf32>
      %select_n3A = arith.select %eq3A_46, %broadcast_in_dim3A_48, %get3A_51 : vector<1x1xf32>
      %add3A = arith.addf %select_n3A, %reshape3A : vector<1x1xf32>
      %swap3A = arith.constant 0 : index
      %swap3A_52 = arith.constant 0 : index
      %swap3A_53 = vector.load %arg7[%swap3A, %swap3A_52] : memref<1x1xf32, #tpu.memory_space<vmem>>, vector<1x1xf32>
      tpu.vector_store %arg7[%swap3A, %swap3A_52], %add3A {strides = array<i32>} : memref<1x1xf32, #tpu.memory_space<vmem>>, vector<1x1xf32>,
    } else {
    }
    return
  }
  func.func @transform_0(%arg0: i32, %arg1: i32) -> (i32, i32, i32) {
    %c0_i32 = arith.constant 0 : i32
    %c0_i32_0 = arith.constant 0 : i32
    %c0_i32_1 = arith.constant 0 : i32
    %c0_i32_2 = arith.constant 0 : i32
    return %c0_i32, %c0_i32_0, %c0_i32_1 : i32, i32, i32
  }
  func.func @transform_1(%arg0: i32, %arg1: i32) -> (i32, i32, i32) {
    %c0_i32 = arith.constant 0 : i32
    %c0_i32_0 = arith.constant 0 : i32
    %c0_i32_1 = arith.constant 0 : i32
    return %c0_i32, %c0_i32_0, %arg0 : i32, i32, i32
  }
  func.func @transform_2(%arg0: i32, %arg1: i32) -> (i32, i32) {
    %c0_i32 = arith.constant 0 : i32
    %c0_i32_0 = arith.constant 0 : i32
    return %c0_i32, %arg0 : i32, i32
  }
  func.func @transform_3(%arg0: i32, %arg1: i32) -> (i32, i32) {
    %c0_i32 = arith.constant 0 : i32
    %c0_i32_0 = arith.constant 0 : i32
    return %c0_i32, %arg0 : i32, i32
  }
  func.func @transform_4(%arg0: i32, %arg1: i32) -> (i32, i32) {
    %c0_i32 = arith.constant 0 : i32
    %c0_i32_0 = arith.constant 0 : i32
    return %c0_i32, %arg0 : i32, i32
  }
  func.func @transform_5(%arg0: i32, %arg1: i32) -> (i32, i32) {
    %c0_i32 = arith.constant 0 : i32
    %c0_i32_0 = arith.constant 0 : i32
    %c0_i32_1 = arith.constant 0 : i32
    return %c0_i32, %c0_i32_0 : i32, i32
  }
}

</mosaic_0001>

<sc_bundles>
// kernel: kernel.6.cloned.1.call-start
scs
__scs_entry_jumppad:
0x0: {  	(pc) =	sbr.rel $0x88, $3  }
0x1: {  	(tag) =	ssettag $0x0;
	lr =	simm.s32 $0x1  }
0x2: {  	[smem:$0x3F98] =	sst lr;
	_ =	strace $0xD0000000  }
0x3: {  	_ = 	snop  }
0x4: {  	_ = 	snop  }
0x5: {  	_ = 	snop  }
0x6: {  	_ = 	snop  }
0x7: {  	_ = 	snop  }
__scs_overlays_trampoline_lowered:
0x8: {  	[smem:$0x3FA7] =	sst s0  }
0x9: {  	[smem:$0x3FA8] =	sst s1  }
0xa: {  	[smem:$0x3FA9] =	sst s2  }
0xb: {  	[smem:$0x3FAA] =	sst s3  }
0xc: {  	[smem:$0x3FAB] =	sst s4  }
0xd: {  	[smem:$0x3FAC] =	sst s5  }
0xe: {  	[smem:$0x3FAD] =	sst s6  }
0xf: {  	[smem:$0x3FAE] =	sst s7  }
0x10: {  	[smem:$0x3FAF] =	sst s8  }
0x11: {  	[smem:$0x3FB0] =	sst s9;
	s0 =	simm.s32 @!p0 $0x0  }
0x12: {  	s1 =	sld [smem:$0x3F96];
	s0 =	simm.s32 @p0 $0x1  }
0x13: {  	[smem:$0x3FB1] =	sst s0;
	s0 =	simm.s32 @!p1 $0x0  }
0x14: {  	s2 =	sld [smem:$0x3F95];
	s0 =	simm.s32 @p1 $0x1  }
0x15: {  	[smem:$0x3FB2] =	sst s0;
	s0 =	simm.s32 @!p2 $0x0  }
0x16: {  	s3 =	sld [smem:$0x3FDB];
	s0 =	simm.s32 @p2 $0x1  }
0x17: {  	s4 =	simm.s32 $0x1BF5;
	[smem:$0x3FB4] =	sst s0  }
0x18: {  	s0 =	sld [smem:$0x3F97];
	_ =	swait.ge [sflag:s4], $0x0  }
0x19: {  	s7 =	sld [smem:$0x3F98]  }
0x1a: {  	s8 =	sadd.s32 $0xFFFFE003, lr  }
0x1b: {  	s9 =	sadd.s32 $0xFFFFFEF7, lr;
	s5 =	simm.s32 $0xFFFFFFFF;
	p2 =	slt.u32 s8, $0xFFFFF086  }
0x1c: {  	p1 =	slt.u32 s9, $0xF7A;
	s5 =	simm.s32 @!p2 $0x0  }
0x1d: {  	s5 =	simm.s32 @p1 $0x1;
	p0 =	seq.s32 s7, s2  }
0x1e: {  	s7 =	smul.u32 @!p0 $0xF7A, s2;
	p2 =	seq.s32 @!p0 s5, $0x0  }
0x1f: {  	s9 =	smul.u32 $0xF7A, s1;
	s8 =	simm.s32 @!p0 $0x1BF5;
	p2 =	por !p2, p0  }
0x20: {  	[sflag:s8] =	ssyncset.s32 @!p0 $0xFFFFF086;
	s6 =	sadd.s32 @!p0 s3, s7;
	s7 =	simm.s32 @!p0 $0x108  }
0x21: {  	s3 =	sadd.s32 s3, s9;
	s6 =	sadd.s32 @!p0 $0x88, s6;
	s7 =	simm.s32 @p2 $0x1082  }
0x22: {  	[simem:s7], [sflag:s8] =	dma.local @!p0 [hbm:s6], $0xF7A  }
0x23: {  	s9 =	sor.u32 $0xD0000000, s2;
	s6 =	simm.s32 $0x108;
	_ =	swait.ge @!p0 [sflag:s8], $0x0  }
0x24: {  	s3 =	sadd.s32 $0x88, s3;
	s6 =	simm.s32 @!p1 $0x1082;
	[sflag:s4] =	ssyncset.s32 $0xFFFFF086  }
0x25: {  	[simem:s6], [sflag:s4] =	dma.local [hbm:s3], $0xF7A  }
0x26: {  	[smem:$0x3F98] =	sst s1;
	(tag) =	ssettag s2;
	_ =	strace s9  }
0x27: {  	s1 =	sld [smem:$0x3FA8]  }
0x28: {  	s2 =	sld [smem:$0x3FA9]  }
0x29: {  	s4 =	sld [smem:$0x3FAB]  }
0x2a: {  	p0 =	seq.s32 s5, $0x0;
	s5 =	sld [smem:$0x3FAC]  }
0x2b: {  	s6 =	sld [smem:$0x3FAD]  }
0x2c: {  	s7 =	sld [smem:$0x3FAE]  }
0x2d: {  	s3 =	simm.s32 $0x108;
	s8 =	sld [smem:$0x3FAF]  }
0x2e: {  	s3 =	simm.s32 @!p0 $0x1082;
	s9 =	sld [smem:$0x3FB0]  }
0x2f: {  	lr =	sadd.s32 s0, s3;
	s0 =	sld [smem:$0x3FA7]  }
0x30: {  	s3 =	sld [smem:$0x3FAA]  }
0x31: {  	[smem:$0x3FB3] =	sst s10  }
0x32: {  	s10 =	sld [smem:$0x3FB1];
	_ =	sdelay $0x3  }
0x33: {  	p0 =	seq.s32 s10, $0x1;
	s10 =	sld [smem:$0x3FB3];
	_ =	sdelay $0x3  }
0x34: {  	[smem:$0x3FB3] =	sst s10  }
0x35: {  	s10 =	sld [smem:$0x3FB2];
	_ =	sdelay $0x3  }
0x36: {  	p1 =	seq.s32 s10, $0x1;
	s10 =	sld [smem:$0x3FB3];
	_ =	sdelay $0x3  }
0x37: {  	[smem:$0x3FB3] =	sst s10  }
0x38: {  	s10 =	sld [smem:$0x3FB4]  }
0x39: {  	_ = 	snop;
	(pc) =	sbr.ind lr, $3  }
0x3a: {  	_ = 	snop  }
0x3b: {  	_ = 	snop  }
0x3c: {  	p2 =	seq.s32 s10, $0x1;
	s10 =	sld [smem:$0x3FB3]  }
0x3d: {  	_ =	shalt  }
0x3e: {  	_ =	shalt  }
0x3f: {  	_ =	shalt  }
0x40: {  	_ =	shalt  }
0x41: {  	_ =	shalt  }
0x42: {  	_ =	shalt  }
0x43: {  	_ =	shalt  }
0x44: {  	_ =	shalt  }
0x45: {  	_ =	shalt  }
0x46: {  	_ =	shalt  }
0x47: {  	_ =	shalt  }
0x48: {  	_ =	shalt  }
0x49: {  	_ =	shalt  }
0x4a: {  	_ =	shalt  }
0x4b: {  	_ =	shalt  }
0x4c: {  	_ =	shalt  }
0x4d: {  	_ =	shalt  }
0x4e: {  	_ =	shalt  }
0x4f: {  	_ =	shalt  }
0x50: {  	_ =	shalt  }
0x51: {  	_ =	shalt  }
0x52: {  	_ =	shalt  }
0x53: {  	_ =	shalt  }
0x54: {  	_ =	shalt  }
0x55: {  	_ =	shalt  }
0x56: {  	_ =	shalt  }
0x57: {  	_ =	shalt  }
0x58: {  	_ =	shalt  }
0x59: {  	_ =	shalt  }
0x5a: {  	_ =	shalt  }
0x5b: {  	_ =	shalt  }
0x5c: {  	_ =	shalt  }
0x5d: {  	_ =	shalt  }
0x5e: {  	_ =	shalt  }
0x5f: {  	_ =	shalt  }
0x60: {  	_ =	shalt  }
0x61: {  	_ =	shalt  }
0x62: {  	_ =	shalt  }
0x63: {  	_ =	shalt  }
0x64: {  	_ =	shalt  }
0x65: {  	_ =	shalt  }
0x66: {  	_ =	shalt  }
0x67: {  	_ =	shalt  }
0x68: {  	_ =	shalt  }
0x69: {  	_ =	shalt  }
0x6a: {  	_ =	shalt  }
0x6b: {  	_ =	shalt  }
0x6c: {  	_ =	shalt  }
0x6d: {  	_ =	shalt  }
0x6e: {  	_ =	shalt  }
0x6f: {  	_ =	shalt  }
0x70: {  	_ =	shalt  }
0x71: {  	_ =	shalt  }
0x72: {  	_ =	shalt  }
0x73: {  	_ =	shalt  }
0x74: {  	_ =	shalt  }
0x75: {  	_ =	shalt  }
0x76: {  	_ =	shalt  }
0x77: {  	_ =	shalt  }
0x78: {  	_ =	shalt  }
0x79: {  	_ =	shalt  }
0x7a: {  	_ =	shalt  }
0x7b: {  	_ =	shalt  }
0x7c: {  	_ =	shalt  }
0x7d: {  	_ =	shalt  }
0x7e: {  	_ =	shalt  }
0x7f: {  	_ =	shalt  }
0x80: {  	_ =	shalt  }
0x81: {  	_ =	shalt  }
0x82: {  	_ =	shalt  }
0x83: {  	_ =	shalt  }
0x84: {  	_ =	shalt  }
0x85: {  	_ =	shalt  }
0x86: {  	_ =	shalt  }
0x87: {  	_ =	shalt  }
.Lfunc_end0:
.L_simem_size_0:
called_computation_lowered:
.L_overlay_start_0:
0x88: {  	s2 =	sld [smem:$0x3FD9]  }
0x89: {  	s3 =	sld [smem:$0x3FFE];
	_ =	sdelay $0x1  }
0x8a: {  	s1 =	srdreg.scid  }
0x8b: {  	s0 =	sand.u32 $0x1, s1  }
0x8c: {  	s16 =	sshll.u32 s0, $0xA;
	s2 =	sadd.s32 s3, s2  }
0x8d: {  	s2 =	sadd.s32 s2, s16  }
0x8e: {  	[smem:$0x3FBF] =	sst s2  }
0x8f: {  	_ = 	snop  }
0x90: {  	(tm) =	ssettm $0x1  }
0x91: {  	s17 =	sld [smem:$0x3FFB];
	_ =	sdelay $0x3  }
0x92: {  	_ =	strace s17  }
0x93: {  	s2 =	sld [smem:$0x3FFC];
	_ =	sdelay $0x3  }
0x94: {  	_ =	strace s2  }
0x95: {  	s2 =	sld [smem:$0x3FFD];
	_ =	sdelay $0x3  }
0x96: {  	_ =	strace s2  }
0x97: {  	_ =	strace $0x8FFFFFFF  }
0x98: {  	s18 =	sld [smem:$0x3FDB];
	_ =	sdelay $0x1  }
0x99: {  	s19 =	simm.s32 $_scs_section_size  }
0x9a: {  	s4 =	simm.s32 $_size__tile_overlayer_lowered;
	s5 =	simm.s32 $_tile_overlayer_lowered  }
0x9b: {  	s22 =	simm.s32 $0x1BFF;
	s21 =	sshll.u32 s5, $0x1;
	s2 =	sadd.s32 s19, s18  }
0x9c: {  	s6 =	simm.s32 $0x0;
	s20 =	sshll.u32 s4, $0x1;
	s4 =	sadd.s32 s21, s2  }
0x9d: {  	[timem:s6], [sflag:s22] =	dma.local [hbm:s4], s20  }
0x9e: {  	_ =	swait.ge [sflag:s22], s20  }
0x9f: {  	s3 =	ssub.s32 $0x0, s20;
	[sflag:s22] =	ssyncset.done $0x0  }
0xa0: {  	[sflag:s22] =	ssyncadd.s32 s3;
	_ =	sdelay $0x1  }
0xa1: {  	s23 =	simm.s32 $0x1B8B  }
0xa2: {  	_ =	swait.ge [sflag:s23], $0x1  }
0xa3: {  	[sflag:s23] =	ssyncset.done $0x0  }
0xa4: {  	s25 =	simm.s32 $0x1B8E;
	s24 =	sld [smem:$0x3FFE];
	[sflag:s23] =	ssyncadd.s32 $0xFFFFFFFF  }
0xa5: {  	s26 =	simm.s32 $execute0_lowered;
	[smem:$0x3FD2] =	sst s25  }
0xa6: {  	s4 =	sshll.u32 s26, $0x1;
	_ =	strace $0x80000046;
	[dreg:$0x1] =	wrdreg $0xFFFFFFFF  }
0xa7: {  	s28 =	simm.s32 $_size_execute0_lowered;
	s2 =	sadd.s32 s2, s4;
	[dreg:$0x0] =	wrdreg $0x0  }
0xa8: {  	s4 =	sshll.u32 s28, $0x1;
	[dreg:$0x2] =	wrdreg s2  }
0xa9: {  	[dreg:$0x3] =	wrdreg s4  }
0xaa: {  	[dreg:$0x4] =	wrdreg $0xC0  }
0xab: {  	_ =	task [dreg:s6], $0x5FFFF  }
0xac: {  	[dreg:$0x1] =	wrdreg $0xFFFFFFFF  }
0xad: {  	[dreg:$0x0] =	wrdreg $0x60  }
0xae: {  	[dreg:$0x2] =	wrdreg s24  }
0xaf: {  	[dreg:$0x3] =	wrdreg $0x9  }
0xb0: {  	_ =	task.clear_ibuf [dreg:s6], $0x4FFFF;
	_ =	strace $0x90000046  }
0xb1: {  	s29 =	simm.s32 $0x9;
	_ =	strace $0x80000048  }
0xb2: {  	_ =	swait.ge [sflag:s29], $0x1  }
0xb3: {  	[sflag:s29] =	ssyncadd.s32 $0xFFFFFFFF  }
0xb4: {  	_ =	strace $0x90000048  }
0xb5: {  	_ =	sfence  }
0xb6: {  	s30 =	sld [smem:$0x0];
	_ =	sdelay $0x2  }
0xb7: {  	s31 =	sshll.u32 s1, $0xD;
	s1 =	sshrl.u32 s1, $0x2  }
0xb8: {  	s3 =	sand.u32 $0x4000, s31;
	s1 =	sadd.s32 s1, s30  }
0xb9: {  	s0 =	sor.u32 s3, s0;
	s1 =	sshll.u32 s1, $0x11  }
0xba: {  	s0 =	sor.u32 s1, s0  }
0xbb: {  	s0 =	sadd.s32 $0x8F2B, s0  }
0xbc: {  	[sflag:s0] =	ssyncadd.remote.s32 $0x1  }
0xbd: {  	_ =	sfence.sel $0xFFFF  }
0xbe: {  	[dreg:$0x0] =	wrdreg $0xFFFFFFFF;
	(pc) =	sbr.abs _section_cstart, $3  }
0xbf: {  	[dreg:$0x1] =	wrdreg $0xFFFFFFFF  }
0xc0: {  	_ =	task.clear_ibuf [dreg:s6], $0x2FFFF;
	_ =	strace $0x9FFFFFFF  }
0xc1: {  	(tm) =	ssettm $0x7FFFFFFF  }
tec
execute0_lowered:
.L_overlay_start_1:
0x0: {  	(tag) =	ssettag $0x1  }
0x1: {  	s1 =	srdreg.scid;
	s0 =	stileid.u32  }
0x2: {  	s13 =	sand.u32 $0x1, s1;
	s31 =	sshll.u32 s0, $0x1  }
0x3: {  	s10 =	sor.u32 s13, s31  }
0x4: {  	s9 =	rddreg [dreg:$0x0];
	s3 =	smul.u32 $0x160, s10  }
0x5: {  	s2 =	simm.s32 $0x0;
	s1 =	rddreg [dreg:$0x1]  }
0x6: {  	[smem:$0x7FF] =	sst s2;
	s3 =	sadd.s32 s3, s9  }
0x7: {  	_ =	strace $0x80000047;
	s4 =	sadd.s32 $0x1131A00, s3;
	s3 =	simm.s32 $0x2  }
0x8: {  	[tilespmem:s2], [sflag:$0x2] =	stream.linear.gather [hbm4b:s4+s2], $0xB00, $0x38;
	[tilespmem:$0x16B00] =	vst v63  }
0x9: {  	_ =	swait.ge [sflag:s3], $0xB00  }
0xa: {  	s6 =	simm.s32 $0x2C0;
	s7 =	simm.s32 $0xB00;
	[sflag:s3] =	ssyncset.done $0x0  }
0xb: {  	s8 =	simm.s32 $0x1;
	s5 =	sadd.s32 $0x1A00, s9;
	[sflag:s3] =	ssyncadd.s32 $0xFFFFF500  }
0xc: {  	[tilespmem:s7], [sflag:$0x1] =	stream.indirect.gather [hbm4b:s5+s6], $0x80, s2, s6, $0xb8;
	[tilespmem:$0x16B00] =	vst v63  }
0xd: {  	s11 =	smul.u32 $0xB000, s10;
	_ =	swait.ge [sflag:s8], $0x16000  }
0xe: {  	s12 =	sadd.s32 $0x1134600, s9;
	[sflag:s8] =	ssyncset.done $0x0  }
0xf: {  	s9 =	sadd.s32 s12, s11;
	[sflag:s8] =	ssyncadd.s32 $0xFFFEA000  }
0x10: {  	[hbm4b:s9+s2] =	stream.linear.scatter [tilespmem:s7], [sflag:$0x2], $0x16000, $0x38;
	[tilespmem:$0x16B00] =	vst v63  }
0x11: {  	_ =	swait.ge [sflag:s3], $0x16000  }
0x12: {  	[sflag:s3] =	ssyncset.done $0x0  }
0x13: {  	s10 =	smul.u32 $0x58000, s10;
	[sflag:s3] =	ssyncadd.s32 $0xFFFEA000  }
0x14: {  	[tilespmem:s7], [sflag:$0x1] =	stream.indirect.gather [hbm4b:s5+s6], $0x80, s6, s6, $0xb8;
	[tilespmem:$0x16B00] =	vst v63  }
0x15: {  	s10 =	sshrl.u32 s10, $0x3;
	_ =	swait.ge [sflag:s8], $0x16000  }
0x16: {  	s14 =	sadd.s32 s12, s10;
	[sflag:s8] =	ssyncset.done $0x0  }
0x17: {  	s10 =	sadd.s32 $0x2C00, s14;
	[sflag:s8] =	ssyncadd.s32 $0xFFFEA000  }
0x18: {  	[hbm4b:s10+s2] =	stream.linear.scatter [tilespmem:s7], [sflag:$0x2], $0x16000, $0x38;
	[tilespmem:$0x16B00] =	vst v63  }
0x19: {  	_ =	swait.ge [sflag:s3], $0x16000  }
0x1a: {  	[sflag:s3] =	ssyncset.done $0x0  }
0x1b: {  	s11 =	simm.s32 $0x580;
	[sflag:s3] =	ssyncadd.s32 $0xFFFEA000  }
0x1c: {  	[tilespmem:s7], [sflag:$0x1] =	stream.indirect.gather [hbm4b:s5+s6], $0x80, s11, s6, $0xb8;
	[tilespmem:$0x16B00] =	vst v63  }
0x1d: {  	_ =	swait.ge [sflag:s8], $0x16000  }
0x1e: {  	[sflag:s8] =	ssyncset.done $0x0  }
0x1f: {  	s15 =	ssub.s32 $0x2, s13;
	s12 =	sadd.s32 $0x5800, s14;
	[sflag:s8] =	ssyncadd.s32 $0xFFFEA000  }
0x20: {  	[hbm4b:s12+s2] =	stream.linear.scatter [tilespmem:s7], [sflag:$0x2], $0x16000, $0x38;
	[tilespmem:$0x16B00] =	vst v63  }
0x21: {  	s16 =	sshrl.u32 s15, $0x1;
	_ =	swait.ge [sflag:s3], $0x16000  }
0x22: {  	s15 =	ssub.s32 s15, s16;
	[sflag:s3] =	ssyncset.done $0x0  }
0x23: {  	s13 =	simm.s32 $0x840;
	s15 =	smax.u32 s15, $0x1;
	[sflag:s3] =	ssyncadd.s32 $0xFFFEA000  }
0x24: {  	[tilespmem:s7], [sflag:$0x1] =	stream.indirect.gather [hbm4b:s5+s6], $0x80, s13, s6, $0xb8;
	[tilespmem:$0x16B00] =	vst v63  }
0x25: {  	p0 =	sne.s32 s15, $0x1;
	_ =	swait.ge [sflag:s8], $0x16000  }
.Ltmp0:
0x26: {  	[sflag:s8] =	ssyncset.done $0x0;
	(pc) =	sbr.rel @!p0 .LBB2_2-.Ltmp0, $4  }
0x27: {  	s14 =	sadd.s32 $0x8400, s14;
	[sflag:s8] =	ssyncadd.s32 $0xFFFEA000  }
0x28: {  	[hbm4b:s14+s2] =	stream.linear.scatter [tilespmem:s7], [sflag:$0x2], $0x16000, $0x38;
	[tilespmem:$0x16B00] =	vst v63  }
0x29: {  	_ =	swait.ge [sflag:s3], $0x16000  }
0x2a: {  	s15 =	sadd.s32 $0xFFFFFFFF, s15;
	[sflag:s3] =	ssyncset.done $0x0  }
.LBB2_1:
0x2b: {  	p0 =	sne.s32 s15, $0x1;
	s15 =	sadd.s32 $0xFFFFFFFF, s15;
	[sflag:s3] =	ssyncadd.s32 $0xFFFEA000  }
0x2c: {  	[tilespmem:s2], [sflag:$0x2] =	stream.linear.gather [hbm4b:s4+s2], $0xB00, $0x38;
	[tilespmem:$0x16B00] =	vst v63  }
0x2d: {  	_ =	swait.ge [sflag:s3], $0xB00  }
0x2e: {  	[sflag:s3] =	ssyncset.done $0x0  }
0x2f: {  	[sflag:s3] =	ssyncadd.s32 $0xFFFFF500  }
0x30: {  	[tilespmem:s7], [sflag:$0x1] =	stream.indirect.gather [hbm4b:s5+s6], $0x80, s2, s6, $0xb8;
	[tilespmem:$0x16B00] =	vst v63  }
0x31: {  	_ =	swait.ge [sflag:s8], $0x16000  }
0x32: {  	[sflag:s8] =	ssyncset.done $0x0  }
0x33: {  	[sflag:s8] =	ssyncadd.s32 $0xFFFEA000  }
0x34: {  	[hbm4b:s9+s2] =	stream.linear.scatter [tilespmem:s7], [sflag:$0x2], $0x16000, $0x38;
	[tilespmem:$0x16B00] =	vst v63  }
0x35: {  	_ =	swait.ge [sflag:s3], $0x16000  }
0x36: {  	[sflag:s3] =	ssyncset.done $0x0  }
0x37: {  	[sflag:s3] =	ssyncadd.s32 $0xFFFEA000  }
0x38: {  	[tilespmem:s7], [sflag:$0x1] =	stream.indirect.gather [hbm4b:s5+s6], $0x80, s6, s6, $0xb8;
	[tilespmem:$0x16B00] =	vst v63  }
0x39: {  	_ =	swait.ge [sflag:s8], $0x16000  }
0x3a: {  	[sflag:s8] =	ssyncset.done $0x0  }
0x3b: {  	[sflag:s8] =	ssyncadd.s32 $0xFFFEA000  }
0x3c: {  	[hbm4b:s10+s2] =	stream.linear.scatter [tilespmem:s7], [sflag:$0x2], $0x16000, $0x38;
	[tilespmem:$0x16B00] =	vst v63  }
0x3d: {  	_ =	swait.ge [sflag:s3], $0x16000  }
0x3e: {  	[sflag:s3] =	ssyncset.done $0x0  }
0x3f: {  	[sflag:s3] =	ssyncadd.s32 $0xFFFEA000  }
0x40: {  	[tilespmem:s7], [sflag:$0x1] =	stream.indirect.gather [hbm4b:s5+s6], $0x80, s11, s6, $0xb8;
	[tilespmem:$0x16B00] =	vst v63  }
0x41: {  	_ =	swait.ge [sflag:s8], $0x16000  }
0x42: {  	[sflag:s8] =	ssyncset.done $0x0  }
0x43: {  	[sflag:s8] =	ssyncadd.s32 $0xFFFEA000  }
0x44: {  	[hbm4b:s12+s2] =	stream.linear.scatter [tilespmem:s7], [sflag:$0x2], $0x16000, $0x38;
	[tilespmem:$0x16B00] =	vst v63  }
0x45: {  	_ =	swait.ge [sflag:s3], $0x16000  }
0x46: {  	[sflag:s3] =	ssyncset.done $0x0  }
0x47: {  	[sflag:s3] =	ssyncadd.s32 $0xFFFEA000  }
0x48: {  	[tilespmem:s7], [sflag:$0x1] =	stream.indirect.gather [hbm4b:s5+s6], $0x80, s13, s6, $0xb8;
	[tilespmem:$0x16B00] =	vst v63  }
0x49: {  	_ =	swait.ge [sflag:s8], $0x16000  }
.Ltmp1:
0x4a: {  	[sflag:s8] =	ssyncset.done $0x0;
	(pc) =	sbr.rel @p0 .LBB2_1-.Ltmp1, $4  }
0x4b: {  	[sflag:s8] =	ssyncadd.s32 $0xFFFEA000  }
0x4c: {  	[hbm4b:s14+s2] =	stream.linear.scatter [tilespmem:s7], [sflag:$0x2], $0x16000, $0x38;
	[tilespmem:$0x16B00] =	vst v63  }
0x4d: {  	_ =	swait.ge [sflag:s3], $0x16000  }
0x4e: {  	[sflag:s3] =	ssyncset.done $0x0  }
.LBB2_2:
0x4f: {  	[sflag:s3] =	ssyncadd.s32 $0xFFFEA000  }
0x50: {  	_ =	sfence.sel $0x180000  }
0x51: {  	[bflag:$0x0] =	sbarrier.arrive $0xFFFF  }
0x52: {  	p0 =	sne.s32 s0, $0x0;
	_ =	strace $0x90000047  }
0x53: {  	s0 =	sadd.s32 @!p0 $0x100000, s1;
	[bflag:$0x2] =	sbarrier.arrive $0xFFFF  }
0x54: {  	[sflag:s0] =	ssyncadd.tile.s32 @!p0 $0x1;
	_ =	shalt  }
.Lfunc_end2:
_tile_overlayer_lowered:
.L_overlay_start_2:
0x55: {  	(tag) =	ssettag $0x2  }
0x56: {  	s0 =	rddreg [dreg:$0x0];
	s2 =	stileid.u32  }
0x57: {  	s1 =	rddreg [dreg:$0x1];
	p0 =	sne.s32 s2, $0x0  }
0x58: {  	s3 =	rddreg [dreg:$0x2];
	[bflag:$0x3] =	sbarrier.arrive $0xFFFF;
	s2 =	simm.s32 @!p0 $0x1C02  }
0x59: {  	[timem:s3], [sflag:s2] =	dma.local @!p0 [hbm:s0], s1  }
0x5a: {  	s0 =	simm.s32 @!p0 $0x2  }
0x5b: {  	_ =	swait.ge @!p0 [sflag:s0], s1  }
0x5c: {  	s1 =	ssub.s32 @!p0 $0x0, s1;
	[sflag:s0] =	ssyncset.done @!p0 $0x0  }
0x5d: {  	[sflag:s0] =	ssyncadd.s32 @!p0 s1  }
0x5e: {  	[bflag:$0x3] =	sbarrier.arrive $0xFFFF  }
0x5f: {  	_ =	shalt  }

</sc_bundles>
